<compile_context>
chip_gen: v7x
topology: tpu7x:2x2x1
jax: 0.10.2.dev20260603
libtpu: 0.0.44.dev20260713+nightly
codegen_flags: <defaults>
</compile_context>

<pallas_src>
import jax
import jax.numpy as jnp
from jax.experimental import pallas as pl
from jax.experimental.pallas import tpu as pltpu

_TK = 2000
_C = 128

_OFFS = list(range(0, _TK - _C + 1, _C))
if _TK % _C:
    _OFFS.append(_TK - _C)


def _knn_body(qn_ref, m_ref, msq_ref, out_ref, acc_ref):
    i = pl.program_id(0)
    nsteps = pl.num_programs(0)
    qn = qn_ref[...]

    parts = [None, None]
    for c, lo in enumerate(_OFFS):
        mc = m_ref[lo:lo + _C, :]
        cross = jax.lax.dot_general(
            qn, mc, dimension_numbers=(((1,), (1,)), ((), ())),
            preferred_element_type=jnp.float32)
        t = msq_ref[0, c:c + 1, :] + cross
        j = c & 1
        parts[j] = t if parts[j] is None else jnp.minimum(parts[j], t)
    part = jnp.minimum(parts[0], parts[1])

    @pl.when(i == 0)
    def _init():
        acc_ref[...] = part

    @pl.when(i != 0)
    def _update():
        acc_ref[...] = jnp.minimum(acc_ref[...], part)

    @pl.when(i == nsteps - 1)
    def _final():
        q_sq = 0.25 * jnp.sum(qn * qn, axis=1, keepdims=True)
        best = jnp.min(acc_ref[...], axis=1, keepdims=True)
        out_ref[...] = jnp.sqrt(jnp.maximum(best + q_sq, 0.0))


def kernel(queries, memory_bank, k):
    Q, D = queries.shape
    N, _ = memory_bank.shape
    steps = N // _TK
    nchunk = len(_OFFS)
    qn = -2.0 * queries
    m_sq = jnp.sum(memory_bank * memory_bank, axis=1)
    idx = (jnp.arange(steps)[:, None, None] * _TK
           + jnp.asarray(_OFFS)[None, :, None]
           + jnp.arange(_C)[None, None, :])
    msq_blocks = m_sq[idx]
    out = pl.pallas_call(
        _knn_body,
        grid=(steps,),
        in_specs=[
            pl.BlockSpec((Q, D), lambda i: (0, 0)),
            pl.BlockSpec((_TK, D), lambda i: (i, 0)),
            pl.BlockSpec((1, nchunk, _C), lambda i: (i, 0, 0)),
        ],
        out_specs=pl.BlockSpec((Q, 1), lambda i: (0, 0)),
        out_shape=jax.ShapeDtypeStruct((Q, 1), jnp.float32),
        scratch_shapes=[pltpu.VMEM((Q, _C), jnp.float32)],
        compiler_params=pltpu.CompilerParams(
            dimension_semantics=("arbitrary",)),
    )(qn, memory_bank, msq_blocks)
    return out[:, 0] / jnp.asarray(k, jnp.float32)

# --- scband reference (transcript-rebuilt; emitter-appended) ---
"""Pipeline reference for scband-patch-core-68582037783099 (READ-ONLY COPY).

The authoritative reference and input builder live on the scoring server;
editing this copy changes nothing except your own understanding.
"""

import jax, jax.numpy as jnp
import numpy as np

def setup_inputs(seed: int = 0) -> dict:
    key = jax.random.key(seed)
    k1, k2 = jax.random.split(key)
    queries = jax.random.normal(k1, (1024, 128), dtype=jnp.float32)
    memory_bank = jax.random.normal(k2, (100000, 128), dtype=jnp.float32)
    return {"queries": queries, "memory_bank": memory_bank, "k": 1}

def reference(queries, memory_bank, k):
    # PatchCore anomaly scoring core: for each query patch feature, find the
    # k nearest neighbours in the memory bank (L2, as FaissNN does) and take
    # the mean NN distance as the patch anomaly score.
    q_sq = jnp.sum(queries * queries, axis=1, keepdims=True)          # [Q, 1]
    m_sq = jnp.sum(memory_bank * memory_bank, axis=1)                 # [K]
    cross = queries @ memory_bank.T                                   # [Q, K]
    d2 = q_sq + m_sq[None, :] - 2.0 * cross                           # [Q, K]
    d2 = jnp.maximum(d2, 0.0)
    neg_top, _idx = jax.lax.top_k(-d2, 1)                             # k smallest dists
    nn_dists = jnp.sqrt(jnp.maximum(-neg_top, 0.0))                   # [Q, k]
    patch_scores = jnp.sum(nn_dists, axis=1) / jnp.asarray(k, dtype=jnp.float32)  # [Q]
    return patch_scores

if __name__ == "__main__":
    import jax
    _d = setup_inputs()
    print(jax.jit(kernel)(*tuple(_d.values())))

</pallas_src>

<mosaic_0001>
module attributes {stable_mosaic.version = 14 : i64} {
  func.func @_knn_body(%arg0: i32, %arg1: memref<1024x128xf32, #tpu.memory_space<vmem>>, %arg2: memref<2000x128xf32, #tpu.memory_space<vmem>>, %arg3: memref<1x16x128xf32, #tpu.memory_space<vmem>>, %arg4: memref<1024x1xf32, #tpu.memory_space<vmem>>, %arg5: memref<1024x128xf32, #tpu.memory_space<vmem>>) attributes {dimension_semantics = [#tpu.dimension_semantics<arbitrary>], iteration_bounds = array<i64: 50>, scalar_prefetch = 0 : i64, scratch_operands = 1 : i64, tpu.core_type = #tpu.core_type<tc>, window_params = [{pipeline_mode = #tpu.pipeline_mode<synchronous>, transform_indices = @transform_0, window_bounds = array<i64: 1024, 128>}, {transform_indices = @transform_1, window_bounds = array<i64: 2000, 128>}, {transform_indices = @transform_2, window_bounds = array<i64: 1, 16, 128>}, {pipeline_mode = #tpu.pipeline_mode<synchronous>, transform_indices = @transform_3, window_bounds = array<i64: 1024, 1>}]} {
    %get3A = arith.constant 0 : index
    %get3A_0 = arith.constant 0 : index
    %get3A_1 = vector.load %arg1[%get3A, %get3A_0] : memref<1024x128xf32, #tpu.memory_space<vmem>>, vector<1024x128xf32>
    %get3A_2 = arith.constant 0 : index
    %get3A_3 = arith.constant 0 : index
    %get3A_4 = vector.load %arg2[%get3A_2, %get3A_3] : memref<2000x128xf32, #tpu.memory_space<vmem>>, vector<128x128xf32>
    %dot_general3A = arith.constant dense<0.000000e+00> : vector<1024x128xf32>
    %dot_general3A_5 = tpu.matmul %get3A_1, %get3A_4, %dot_general3A {dimension_numbers = #tpu.dot_dimension_numbers<[1], [1], [0], [0], [0, 0, 1, 0], [], []>, transpose_lhs_hint = false} : vector<1024x128xf32>, vector<128x128xf32>, vector<1024x128xf32> -> vector<1024x128xf32>
    %get3A_6 = arith.constant 0 : index
    %get3A_7 = arith.constant 0 : index
    %get3A_8 = arith.constant 0 : index
    %get3A_9 = vector.load %arg3[%get3A_6, %get3A_7, %get3A_8] : memref<1x16x128xf32, #tpu.memory_space<vmem>>, vector<1x1x128xf32>
    %get3A_10 = vector.shape_cast %get3A_9 : vector<1x1x128xf32> to vector<1x128xf32>
    %add3A = vector.broadcast %get3A_10 : vector<1x128xf32> to vector<1024x128xf32>
    %add3A_11 = arith.addf %add3A, %dot_general3A_5 : vector<1024x128xf32>
    %get3A_12 = arith.constant 128 : index
    %get3A_13 = arith.constant 0 : index
    %get3A_14 = vector.load %arg2[%get3A_12, %get3A_13] : memref<2000x128xf32, #tpu.memory_space<vmem>>, vector<128x128xf32>
    %dot_general3A_15 = arith.constant dense<0.000000e+00> : vector<1024x128xf32>
    %dot_general3A_16 = tpu.matmul %get3A_1, %get3A_14, %dot_general3A_15 {dimension_numbers = #tpu.dot_dimension_numbers<[1], [1], [0], [0], [0, 0, 1, 0], [], []>, transpose_lhs_hint = false} : vector<1024x128xf32>, vector<128x128xf32>, vector<1024x128xf32> -> vector<1024x128xf32>
    %get3A_17 = arith.constant 0 : index
    %get3A_18 = arith.constant 1 : index
    %get3A_19 = arith.constant 0 : index
    %get3A_20 = vector.load %arg3[%get3A_17, %get3A_18, %get3A_19] : memref<1x16x128xf32, #tpu.memory_space<vmem>>, vector<1x1x128xf32>
    %get3A_21 = vector.shape_cast %get3A_20 : vector<1x1x128xf32> to vector<1x128xf32>
    %add3A_22 = vector.broadcast %get3A_21 : vector<1x128xf32> to vector<1024x128xf32>
    %add3A_23 = arith.addf %add3A_22, %dot_general3A_16 : vector<1024x128xf32>
    %get3A_24 = arith.constant 256 : index
    %get3A_25 = arith.constant 0 : index
    %get3A_26 = vector.load %arg2[%get3A_24, %get3A_25] : memref<2000x128xf32, #tpu.memory_space<vmem>>, vector<128x128xf32>
    %dot_general3A_27 = arith.constant dense<0.000000e+00> : vector<1024x128xf32>
    %dot_general3A_28 = tpu.matmul %get3A_1, %get3A_26, %dot_general3A_27 {dimension_numbers = #tpu.dot_dimension_numbers<[1], [1], [0], [0], [0, 0, 1, 0], [], []>, transpose_lhs_hint = false} : vector<1024x128xf32>, vector<128x128xf32>, vector<1024x128xf32> -> vector<1024x128xf32>
    %get3A_29 = arith.constant 0 : index
    %get3A_30 = arith.constant 2 : index
    %get3A_31 = arith.constant 0 : index
    %get3A_32 = vector.load %arg3[%get3A_29, %get3A_30, %get3A_31] : memref<1x16x128xf32, #tpu.memory_space<vmem>>, vector<1x1x128xf32>
    %get3A_33 = vector.shape_cast %get3A_32 : vector<1x1x128xf32> to vector<1x128xf32>
    %add3A_34 = vector.broadcast %get3A_33 : vector<1x128xf32> to vector<1024x128xf32>
    %add3A_35 = arith.addf %add3A_34, %dot_general3A_28 : vector<1024x128xf32>
    %min3A = arith.minimumf %add3A_11, %add3A_35 : vector<1024x128xf32>
    %get3A_36 = arith.constant 384 : index
    %get3A_37 = arith.constant 0 : index
    %get3A_38 = vector.load %arg2[%get3A_36, %get3A_37] : memref<2000x128xf32, #tpu.memory_space<vmem>>, vector<128x128xf32>
    %dot_general3A_39 = arith.constant dense<0.000000e+00> : vector<1024x128xf32>
    %dot_general3A_40 = tpu.matmul %get3A_1, %get3A_38, %dot_general3A_39 {dimension_numbers = #tpu.dot_dimension_numbers<[1], [1], [0], [0], [0, 0, 1, 0], [], []>, transpose_lhs_hint = false} : vector<1024x128xf32>, vector<128x128xf32>, vector<1024x128xf32> -> vector<1024x128xf32>
    %get3A_41 = arith.constant 0 : index
    %get3A_42 = arith.constant 3 : index
    %get3A_43 = arith.constant 0 : index
    %get3A_44 = vector.load %arg3[%get3A_41, %get3A_42, %get3A_43] : memref<1x16x128xf32, #tpu.memory_space<vmem>>, vector<1x1x128xf32>
    %get3A_45 = vector.shape_cast %get3A_44 : vector<1x1x128xf32> to vector<1x128xf32>
    %add3A_46 = vector.broadcast %get3A_45 : vector<1x128xf32> to vector<1024x128xf32>
    %add3A_47 = arith.addf %add3A_46, %dot_general3A_40 : vector<1024x128xf32>
    %min3A_48 = arith.minimumf %add3A_23, %add3A_47 : vector<1024x128xf32>
    %get3A_49 = arith.constant 512 : index
    %get3A_50 = arith.constant 0 : index
    %get3A_51 = vector.load %arg2[%get3A_49, %get3A_50] : memref<2000x128xf32, #tpu.memory_space<vmem>>, vector<128x128xf32>
    %dot_general3A_52 = arith.constant dense<0.000000e+00> : vector<1024x128xf32>
    %dot_general3A_53 = tpu.matmul %get3A_1, %get3A_51, %dot_general3A_52 {dimension_numbers = #tpu.dot_dimension_numbers<[1], [1], [0], [0], [0, 0, 1, 0], [], []>, transpose_lhs_hint = false} : vector<1024x128xf32>, vector<128x128xf32>, vector<1024x128xf32> -> vector<1024x128xf32>
    %get3A_54 = arith.constant 0 : index
    %get3A_55 = arith.constant 4 : index
    %get3A_56 = arith.constant 0 : index
    %get3A_57 = vector.load %arg3[%get3A_54, %get3A_55, %get3A_56] : memref<1x16x128xf32, #tpu.memory_space<vmem>>, vector<1x1x128xf32>
    %get3A_58 = vector.shape_cast %get3A_57 : vector<1x1x128xf32> to vector<1x128xf32>
    %add3A_59 = vector.broadcast %get3A_58 : vector<1x128xf32> to vector<1024x128xf32>
    %add3A_60 = arith.addf %add3A_59, %dot_general3A_53 : vector<1024x128xf32>
    %min3A_61 = arith.minimumf %min3A, %add3A_60 : vector<1024x128xf32>
    %get3A_62 = arith.constant 640 : index
    %get3A_63 = arith.constant 0 : index
    %get3A_64 = vector.load %arg2[%get3A_62, %get3A_63] : memref<2000x128xf32, #tpu.memory_space<vmem>>, vector<128x128xf32>
    %dot_general3A_65 = arith.constant dense<0.000000e+00> : vector<1024x128xf32>
    %dot_general3A_66 = tpu.matmul %get3A_1, %get3A_64, %dot_general3A_65 {dimension_numbers = #tpu.dot_dimension_numbers<[1], [1], [0], [0], [0, 0, 1, 0], [], []>, transpose_lhs_hint = false} : vector<1024x128xf32>, vector<128x128xf32>, vector<1024x128xf32> -> vector<1024x128xf32>
    %get3A_67 = arith.constant 0 : index
    %get3A_68 = arith.constant 5 : index
    %get3A_69 = arith.constant 0 : index
    %get3A_70 = vector.load %arg3[%get3A_67, %get3A_68, %get3A_69] : memref<1x16x128xf32, #tpu.memory_space<vmem>>, vector<1x1x128xf32>
    %get3A_71 = vector.shape_cast %get3A_70 : vector<1x1x128xf32> to vector<1x128xf32>
    %add3A_72 = vector.broadcast %get3A_71 : vector<1x128xf32> to vector<1024x128xf32>
    %add3A_73 = arith.addf %add3A_72, %dot_general3A_66 : vector<1024x128xf32>
    %min3A_74 = arith.minimumf %min3A_48, %add3A_73 : vector<1024x128xf32>
    %get3A_75 = arith.constant 768 : index
    %get3A_76 = arith.constant 0 : index
    %get3A_77 = vector.load %arg2[%get3A_75, %get3A_76] : memref<2000x128xf32, #tpu.memory_space<vmem>>, vector<128x128xf32>
    %dot_general3A_78 = arith.constant dense<0.000000e+00> : vector<1024x128xf32>
    %dot_general3A_79 = tpu.matmul %get3A_1, %get3A_77, %dot_general3A_78 {dimension_numbers = #tpu.dot_dimension_numbers<[1], [1], [0], [0], [0, 0, 1, 0], [], []>, transpose_lhs_hint = false} : vector<1024x128xf32>, vector<128x128xf32>, vector<1024x128xf32> -> vector<1024x128xf32>
    %get3A_80 = arith.constant 0 : index
    %get3A_81 = arith.constant 6 : index
    %get3A_82 = arith.constant 0 : index
    %get3A_83 = vector.load %arg3[%get3A_80, %get3A_81, %get3A_82] : memref<1x16x128xf32, #tpu.memory_space<vmem>>, vector<1x1x128xf32>
    %get3A_84 = vector.shape_cast %get3A_83 : vector<1x1x128xf32> to vector<1x128xf32>
    %add3A_85 = vector.broadcast %get3A_84 : vector<1x128xf32> to vector<1024x128xf32>
    %add3A_86 = arith.addf %add3A_85, %dot_general3A_79 : vector<1024x128xf32>
    %min3A_87 = arith.minimumf %min3A_61, %add3A_86 : vector<1024x128xf32>
    %get3A_88 = arith.constant 896 : index
    %get3A_89 = arith.constant 0 : index
    %get3A_90 = vector.load %arg2[%get3A_88, %get3A_89] : memref<2000x128xf32, #tpu.memory_space<vmem>>, vector<128x128xf32>
    %dot_general3A_91 = arith.constant dense<0.000000e+00> : vector<1024x128xf32>
    %dot_general3A_92 = tpu.matmul %get3A_1, %get3A_90, %dot_general3A_91 {dimension_numbers = #tpu.dot_dimension_numbers<[1], [1], [0], [0], [0, 0, 1, 0], [], []>, transpose_lhs_hint = false} : vector<1024x128xf32>, vector<128x128xf32>, vector<1024x128xf32> -> vector<1024x128xf32>
    %get3A_93 = arith.constant 0 : index
    %get3A_94 = arith.constant 7 : index
    %get3A_95 = arith.constant 0 : index
    %get3A_96 = vector.load %arg3[%get3A_93, %get3A_94, %get3A_95] : memref<1x16x128xf32, #tpu.memory_space<vmem>>, vector<1x1x128xf32>
    %get3A_97 = vector.shape_cast %get3A_96 : vector<1x1x128xf32> to vector<1x128xf32>
    %add3A_98 = vector.broadcast %get3A_97 : vector<1x128xf32> to vector<1024x128xf32>
    %add3A_99 = arith.addf %add3A_98, %dot_general3A_92 : vector<1024x128xf32>
    %min3A_100 = arith.minimumf %min3A_74, %add3A_99 : vector<1024x128xf32>
    %get3A_101 = arith.constant 1024 : index
    %get3A_102 = arith.constant 0 : index
    %get3A_103 = vector.load %arg2[%get3A_101, %get3A_102] : memref<2000x128xf32, #tpu.memory_space<vmem>>, vector<128x128xf32>
    %dot_general3A_104 = arith.constant dense<0.000000e+00> : vector<1024x128xf32>
    %dot_general3A_105 = tpu.matmul %get3A_1, %get3A_103, %dot_general3A_104 {dimension_numbers = #tpu.dot_dimension_numbers<[1], [1], [0], [0], [0, 0, 1, 0], [], []>, transpose_lhs_hint = false} : vector<1024x128xf32>, vector<128x128xf32>, vector<1024x128xf32> -> vector<1024x128xf32>
    %get3A_106 = arith.constant 0 : index
    %get3A_107 = arith.constant 8 : index
    %get3A_108 = arith.constant 0 : index
    %get3A_109 = vector.load %arg3[%get3A_106, %get3A_107, %get3A_108] : memref<1x16x128xf32, #tpu.memory_space<vmem>>, vector<1x1x128xf32>
    %get3A_110 = vector.shape_cast %get3A_109 : vector<1x1x128xf32> to vector<1x128xf32>
    %add3A_111 = vector.broadcast %get3A_110 : vector<1x128xf32> to vector<1024x128xf32>
    %add3A_112 = arith.addf %add3A_111, %dot_general3A_105 : vector<1024x128xf32>
    %min3A_113 = arith.minimumf %min3A_87, %add3A_112 : vector<1024x128xf32>
    %get3A_114 = arith.constant 1152 : index
    %get3A_115 = arith.constant 0 : index
    %get3A_116 = vector.load %arg2[%get3A_114, %get3A_115] : memref<2000x128xf32, #tpu.memory_space<vmem>>, vector<128x128xf32>
    %dot_general3A_117 = arith.constant dense<0.000000e+00> : vector<1024x128xf32>
    %dot_general3A_118 = tpu.matmul %get3A_1, %get3A_116, %dot_general3A_117 {dimension_numbers = #tpu.dot_dimension_numbers<[1], [1], [0], [0], [0, 0, 1, 0], [], []>, transpose_lhs_hint = false} : vector<1024x128xf32>, vector<128x128xf32>, vector<1024x128xf32> -> vector<1024x128xf32>
    %get3A_119 = arith.constant 0 : index
    %get3A_120 = arith.constant 9 : index
    %get3A_121 = arith.constant 0 : index
    %get3A_122 = vector.load %arg3[%get3A_119, %get3A_120, %get3A_121] : memref<1x16x128xf32, #tpu.memory_space<vmem>>, vector<1x1x128xf32>
    %get3A_123 = vector.shape_cast %get3A_122 : vector<1x1x128xf32> to vector<1x128xf32>
    %add3A_124 = vector.broadcast %get3A_123 : vector<1x128xf32> to vector<1024x128xf32>
    %add3A_125 = arith.addf %add3A_124, %dot_general3A_118 : vector<1024x128xf32>
    %min3A_126 = arith.minimumf %min3A_100, %add3A_125 : vector<1024x128xf32>
    %get3A_127 = arith.constant 1280 : index
    %get3A_128 = arith.constant 0 : index
    %get3A_129 = vector.load %arg2[%get3A_127, %get3A_128] : memref<2000x128xf32, #tpu.memory_space<vmem>>, vector<128x128xf32>
    %dot_general3A_130 = arith.constant dense<0.000000e+00> : vector<1024x128xf32>
    %dot_general3A_131 = tpu.matmul %get3A_1, %get3A_129, %dot_general3A_130 {dimension_numbers = #tpu.dot_dimension_numbers<[1], [1], [0], [0], [0, 0, 1, 0], [], []>, transpose_lhs_hint = false} : vector<1024x128xf32>, vector<128x128xf32>, vector<1024x128xf32> -> vector<1024x128xf32>
    %get3A_132 = arith.constant 0 : index
    %get3A_133 = arith.constant 10 : index
    %get3A_134 = arith.constant 0 : index
    %get3A_135 = vector.load %arg3[%get3A_132, %get3A_133, %get3A_134] : memref<1x16x128xf32, #tpu.memory_space<vmem>>, vector<1x1x128xf32>
    %get3A_136 = vector.shape_cast %get3A_135 : vector<1x1x128xf32> to vector<1x128xf32>
    %add3A_137 = vector.broadcast %get3A_136 : vector<1x128xf32> to vector<1024x128xf32>
    %add3A_138 = arith.addf %add3A_137, %dot_general3A_131 : vector<1024x128xf32>
    %min3A_139 = arith.minimumf %min3A_113, %add3A_138 : vector<1024x128xf32>
    %get3A_140 = arith.constant 1408 : index
    %get3A_141 = arith.constant 0 : index
    %get3A_142 = vector.load %arg2[%get3A_140, %get3A_141] : memref<2000x128xf32, #tpu.memory_space<vmem>>, vector<128x128xf32>
    %dot_general3A_143 = arith.constant dense<0.000000e+00> : vector<1024x128xf32>
    %dot_general3A_144 = tpu.matmul %get3A_1, %get3A_142, %dot_general3A_143 {dimension_numbers = #tpu.dot_dimension_numbers<[1], [1], [0], [0], [0, 0, 1, 0], [], []>, transpose_lhs_hint = false} : vector<1024x128xf32>, vector<128x128xf32>, vector<1024x128xf32> -> vector<1024x128xf32>
    %get3A_145 = arith.constant 0 : index
    %get3A_146 = arith.constant 11 : index
    %get3A_147 = arith.constant 0 : index
    %get3A_148 = vector.load %arg3[%get3A_145, %get3A_146, %get3A_147] : memref<1x16x128xf32, #tpu.memory_space<vmem>>, vector<1x1x128xf32>
    %get3A_149 = vector.shape_cast %get3A_148 : vector<1x1x128xf32> to vector<1x128xf32>
    %add3A_150 = vector.broadcast %get3A_149 : vector<1x128xf32> to vector<1024x128xf32>
    %add3A_151 = arith.addf %add3A_150, %dot_general3A_144 : vector<1024x128xf32>
    %min3A_152 = arith.minimumf %min3A_126, %add3A_151 : vector<1024x128xf32>
    %get3A_153 = arith.constant 1536 : index
    %get3A_154 = arith.constant 0 : index
    %get3A_155 = vector.load %arg2[%get3A_153, %get3A_154] : memref<2000x128xf32, #tpu.memory_space<vmem>>, vector<128x128xf32>
    %dot_general3A_156 = arith.constant dense<0.000000e+00> : vector<1024x128xf32>
    %dot_general3A_157 = tpu.matmul %get3A_1, %get3A_155, %dot_general3A_156 {dimension_numbers = #tpu.dot_dimension_numbers<[1], [1], [0], [0], [0, 0, 1, 0], [], []>, transpose_lhs_hint = false} : vector<1024x128xf32>, vector<128x128xf32>, vector<1024x128xf32> -> vector<1024x128xf32>
    %get3A_158 = arith.constant 0 : index
    %get3A_159 = arith.constant 12 : index
    %get3A_160 = arith.constant 0 : index
    %get3A_161 = vector.load %arg3[%get3A_158, %get3A_159, %get3A_160] : memref<1x16x128xf32, #tpu.memory_space<vmem>>, vector<1x1x128xf32>
    %get3A_162 = vector.shape_cast %get3A_161 : vector<1x1x128xf32> to vector<1x128xf32>
    %add3A_163 = vector.broadcast %get3A_162 : vector<1x128xf32> to vector<1024x128xf32>
    %add3A_164 = arith.addf %add3A_163, %dot_general3A_157 : vector<1024x128xf32>
    %min3A_165 = arith.minimumf %min3A_139, %add3A_164 : vector<1024x128xf32>
    %get3A_166 = arith.constant 1664 : index
    %get3A_167 = arith.constant 0 : index
    %get3A_168 = vector.load %arg2[%get3A_166, %get3A_167] : memref<2000x128xf32, #tpu.memory_space<vmem>>, vector<128x128xf32>
    %dot_general3A_169 = arith.constant dense<0.000000e+00> : vector<1024x128xf32>
    %dot_general3A_170 = tpu.matmul %get3A_1, %get3A_168, %dot_general3A_169 {dimension_numbers = #tpu.dot_dimension_numbers<[1], [1], [0], [0], [0, 0, 1, 0], [], []>, transpose_lhs_hint = false} : vector<1024x128xf32>, vector<128x128xf32>, vector<1024x128xf32> -> vector<1024x128xf32>
    %get3A_171 = arith.constant 0 : index
    %get3A_172 = arith.constant 13 : index
    %get3A_173 = arith.constant 0 : index
    %get3A_174 = vector.load %arg3[%get3A_171, %get3A_172, %get3A_173] : memref<1x16x128xf32, #tpu.memory_space<vmem>>, vector<1x1x128xf32>
    %get3A_175 = vector.shape_cast %get3A_174 : vector<1x1x128xf32> to vector<1x128xf32>
    %add3A_176 = vector.broadcast %get3A_175 : vector<1x128xf32> to vector<1024x128xf32>
    %add3A_177 = arith.addf %add3A_176, %dot_general3A_170 : vector<1024x128xf32>
    %min3A_178 = arith.minimumf %min3A_152, %add3A_177 : vector<1024x128xf32>
    %get3A_179 = arith.constant 1792 : index
    %get3A_180 = arith.constant 0 : index
    %get3A_181 = vector.load %arg2[%get3A_179, %get3A_180] : memref<2000x128xf32, #tpu.memory_space<vmem>>, vector<128x128xf32>
    %dot_general3A_182 = arith.constant dense<0.000000e+00> : vector<1024x128xf32>
    %dot_general3A_183 = tpu.matmul %get3A_1, %get3A_181, %dot_general3A_182 {dimension_numbers = #tpu.dot_dimension_numbers<[1], [1], [0], [0], [0, 0, 1, 0], [], []>, transpose_lhs_hint = false} : vector<1024x128xf32>, vector<128x128xf32>, vector<1024x128xf32> -> vector<1024x128xf32>
    %get3A_184 = arith.constant 0 : index
    %get3A_185 = arith.constant 14 : index
    %get3A_186 = arith.constant 0 : index
    %get3A_187 = vector.load %arg3[%get3A_184, %get3A_185, %get3A_186] : memref<1x16x128xf32, #tpu.memory_space<vmem>>, vector<1x1x128xf32>
    %get3A_188 = vector.shape_cast %get3A_187 : vector<1x1x128xf32> to vector<1x128xf32>
    %add3A_189 = vector.broadcast %get3A_188 : vector<1x128xf32> to vector<1024x128xf32>
    %add3A_190 = arith.addf %add3A_189, %dot_general3A_183 : vector<1024x128xf32>
    %min3A_191 = arith.minimumf %min3A_165, %add3A_190 : vector<1024x128xf32>
    %get3A_192 = arith.constant 1872 : index
    %get3A_193 = arith.constant 0 : index
    %get3A_194 = vector.load %arg2[%get3A_192, %get3A_193] : memref<2000x128xf32, #tpu.memory_space<vmem>>, vector<128x128xf32>
    %dot_general3A_195 = arith.constant dense<0.000000e+00> : vector<1024x128xf32>
    %dot_general3A_196 = tpu.matmul %get3A_1, %get3A_194, %dot_general3A_195 {dimension_numbers = #tpu.dot_dimension_numbers<[1], [1], [0], [0], [0, 0, 1, 0], [], []>, transpose_lhs_hint = false} : vector<1024x128xf32>, vector<128x128xf32>, vector<1024x128xf32> -> vector<1024x128xf32>
    %get3A_197 = arith.constant 0 : index
    %get3A_198 = arith.constant 15 : index
    %get3A_199 = arith.constant 0 : index
    %get3A_200 = vector.load %arg3[%get3A_197, %get3A_198, %get3A_199] : memref<1x16x128xf32, #tpu.memory_space<vmem>>, vector<1x1x128xf32>
    %get3A_201 = vector.shape_cast %get3A_200 : vector<1x1x128xf32> to vector<1x128xf32>
    %add3A_202 = vector.broadcast %get3A_201 : vector<1x128xf32> to vector<1024x128xf32>
    %add3A_203 = arith.addf %add3A_202, %dot_general3A_196 : vector<1024x128xf32>
    %min3A_204 = arith.minimumf %min3A_178, %add3A_203 : vector<1024x128xf32>
    %min3A_205 = arith.minimumf %min3A_191, %min3A_204 : vector<1024x128xf32>
    %eq3A = arith.constant 0 : i32
    %eq3A_206 = arith.cmpi eq, %arg0, %eq3A : i32
    %convert_element_type3A = arith.extui %eq3A_206 : i1 to i32
    %cond3A = arith.constant 0 : i32
    %cond3A_207 = arith.cmpi ne, %convert_element_type3A, %cond3A : i32
    scf.if %cond3A_207 {
      %swap3A = arith.constant 0 : index
      %swap3A_217 = arith.constant 0 : index
      %swap3A_218 = vector.load %arg5[%swap3A, %swap3A_217] : memref<1024x128xf32, #tpu.memory_space<vmem>>, vector<1024x128xf32>
      tpu.vector_store %arg5[%swap3A, %swap3A_217], %min3A_205 {strides = array<i32>} : memref<1024x128xf32, #tpu.memory_space<vmem>>, vector<1024x128xf32>,
    } else {
    }
    %ne3A = arith.constant 0 : i32
    %ne3A_208 = arith.cmpi ne, %arg0, %ne3A : i32
    %convert_element_type3A_209 = arith.extui %ne3A_208 : i1 to i32
    %cond3A_210 = arith.constant 0 : i32
    %cond3A_211 = arith.cmpi ne, %convert_element_type3A_209, %cond3A_210 : i32
    scf.if %cond3A_211 {
      %get3A_217 = arith.constant 0 : index
      %get3A_218 = arith.constant 0 : index
      %get3A_219 = vector.load %arg5[%get3A_217, %get3A_218] : memref<1024x128xf32, #tpu.memory_space<vmem>>, vector<1024x128xf32>
      %min3A_220 = arith.minimumf %get3A_219, %min3A_205 : vector<1024x128xf32>
      %swap3A = arith.constant 0 : index
      %swap3A_221 = arith.constant 0 : index
      %swap3A_222 = vector.load %arg5[%swap3A, %swap3A_221] : memref<1024x128xf32, #tpu.memory_space<vmem>>, vector<1024x128xf32>
      tpu.vector_store %arg5[%swap3A, %swap3A_221], %min3A_220 {strides = array<i32>} : memref<1024x128xf32, #tpu.memory_space<vmem>>, vector<1024x128xf32>,
    } else {
    }
    %eq3A_212 = arith.constant 49 : i32
    %eq3A_213 = arith.cmpi eq, %arg0, %eq3A_212 : i32
    %convert_element_type3A_214 = arith.extui %eq3A_213 : i1 to i32
    %cond3A_215 = arith.constant 0 : i32
    %cond3A_216 = arith.cmpi ne, %convert_element_type3A_214, %cond3A_215 : i32
    scf.if %cond3A_216 {
      %mul3A = arith.mulf %get3A_1, %get3A_1 : vector<1024x128xf32>
      %reduce_sum3A = arith.constant dense<0.000000e+00> : vector<1024xf32>
      %reduce_sum3A_217 = vector.multi_reduction <add>, %mul3A, %reduce_sum3A [1] : vector<1024x128xf32> to vector<1024xf32>
      %broadcast_in_dim3A = vector.shape_cast %reduce_sum3A_217 : vector<1024xf32> to vector<1024x1xf32>
      %mul3A_218 = arith.constant 2.500000e-01 : f32
      %mul3A_219 = vector.broadcast %mul3A_218 : f32 to vector<1024x1xf32>
      %mul3A_220 = arith.mulf %mul3A_219, %broadcast_in_dim3A : vector<1024x1xf32>
      %get3A_221 = arith.constant 0 : index
      %get3A_222 = arith.constant 0 : index
      %get3A_223 = vector.load %arg5[%get3A_221, %get3A_222] : memref<1024x128xf32, #tpu.memory_space<vmem>>, vector<1024x128xf32>
      %reduce_min3A = arith.constant dense<0x7F800000> : vector<1024xf32>
      %reduce_min3A_224 = vector.multi_reduction <minimumf>, %get3A_223, %reduce_min3A [1] : vector<1024x128xf32> to vector<1024xf32>
      %broadcast_in_dim3A_225 = vector.shape_cast %reduce_min3A_224 : vector<1024xf32> to vector<1024x1xf32>
      %add3A_226 = arith.addf %broadcast_in_dim3A_225, %mul3A_220 : vector<1024x1xf32>
      %max3A = arith.constant 0.000000e+00 : f32
      %max3A_227 = vector.broadcast %max3A : f32 to vector<1024x1xf32>
      %max3A_228 = arith.maximumf %add3A_226, %max3A_227 : vector<1024x1xf32>
      %sqrt3A = math.sqrt %max3A_228 : vector<1024x1xf32>
      %swap3A = arith.constant 0 : index
      %swap3A_229 = arith.constant 0 : index
      %swap3A_230 = vector.load %arg4[%swap3A, %swap3A_229] : memref<1024x1xf32, #tpu.memory_space<vmem>>, vector<1024x1xf32>
      tpu.vector_store %arg4[%swap3A, %swap3A_229], %sqrt3A {strides = array<i32>} : memref<1024x1xf32, #tpu.memory_space<vmem>>, vector<1024x1xf32>,
    } else {
    }
    return
  }
  func.func @transform_0(%arg0: i32) -> (i32, i32) {
    %c0_i32 = arith.constant 0 : i32
    %c0_i32_0 = arith.constant 0 : i32
    %c0_i32_1 = arith.constant 0 : i32
    return %c0_i32, %c0_i32_0 : i32, i32
  }
  func.func @transform_1(%arg0: i32) -> (i32, i32) {
    %c0_i32 = arith.constant 0 : i32
    %c0_i32_0 = arith.constant 0 : i32
    return %arg0, %c0_i32 : i32, i32
  }
  func.func @transform_2(%arg0: i32) -> (i32, i32, i32) {
    %c0_i32 = arith.constant 0 : i32
    %c0_i32_0 = arith.constant 0 : i32
    %c0_i32_1 = arith.constant 0 : i32
    return %arg0, %c0_i32, %c0_i32_0 : i32, i32, i32
  }
  func.func @transform_3(%arg0: i32) -> (i32, i32) {
    %c0_i32 = arith.constant 0 : i32
    %c0_i32_0 = arith.constant 0 : i32
    %c0_i32_1 = arith.constant 0 : i32
    return %c0_i32, %c0_i32_0 : i32, i32
  }
}

</mosaic_0001>

<sc_bundles>
// kernel: gather_offload_async_start
scs
__scs_entry_jumppad:
0x0: {  	(pc) =	sbr.rel $0x88, $3  }
0x1: {  	(tag) =	ssettag $0x0;
	lr =	simm.s32 $0x1  }
0x2: {  	[smem:$0x3F9E] =	sst lr;
	_ =	strace $0xD0000000  }
0x3: {  	_ = 	snop  }
0x4: {  	_ = 	snop  }
0x5: {  	_ = 	snop  }
0x6: {  	_ = 	snop  }
0x7: {  	_ = 	snop  }
__scs_overlays_trampoline_lowered:
0x8: {  	[smem:$0x3FAD] =	sst s0  }
0x9: {  	[smem:$0x3FAE] =	sst s1  }
0xa: {  	[smem:$0x3FAF] =	sst s2  }
0xb: {  	[smem:$0x3FB0] =	sst s3  }
0xc: {  	[smem:$0x3FB1] =	sst s4  }
0xd: {  	[smem:$0x3FB2] =	sst s5  }
0xe: {  	[smem:$0x3FB3] =	sst s6  }
0xf: {  	[smem:$0x3FB4] =	sst s7  }
0x10: {  	[smem:$0x3FB5] =	sst s8  }
0x11: {  	[smem:$0x3FB6] =	sst s9;
	s0 =	simm.s32 @!p0 $0x0  }
0x12: {  	s1 =	sld [smem:$0x3F9C];
	s0 =	simm.s32 @p0 $0x1  }
0x13: {  	[smem:$0x3FB7] =	sst s0;
	s0 =	simm.s32 @!p1 $0x0  }
0x14: {  	s2 =	sld [smem:$0x3F9B];
	s0 =	simm.s32 @p1 $0x1  }
0x15: {  	[smem:$0x3FB8] =	sst s0;
	s0 =	simm.s32 @!p2 $0x0  }
0x16: {  	s3 =	sld [smem:$0x3FDB];
	s0 =	simm.s32 @p2 $0x1  }
0x17: {  	s4 =	simm.s32 $0x1BF5;
	[smem:$0x3FBA] =	sst s0  }
0x18: {  	s0 =	sld [smem:$0x3F9D];
	_ =	swait.ge [sflag:s4], $0x0  }
0x19: {  	s7 =	sld [smem:$0x3F9E]  }
0x1a: {  	s8 =	sadd.s32 $0xFFFFE003, lr  }
0x1b: {  	s9 =	sadd.s32 $0xFFFFFEF7, lr;
	s5 =	simm.s32 $0xFFFFFFFF;
	p2 =	slt.u32 s8, $0xFFFFF086  }
0x1c: {  	p1 =	slt.u32 s9, $0xF7A;
	s5 =	simm.s32 @!p2 $0x0  }
0x1d: {  	s5 =	simm.s32 @p1 $0x1;
	p0 =	seq.s32 s7, s2  }
0x1e: {  	s7 =	smul.u32 @!p0 $0xF7A, s2;
	p2 =	seq.s32 @!p0 s5, $0x0  }
0x1f: {  	s9 =	smul.u32 $0xF7A, s1;
	s8 =	simm.s32 @!p0 $0x1BF5;
	p2 =	por !p2, p0  }
0x20: {  	[sflag:s8] =	ssyncset.s32 @!p0 $0xFFFFF086;
	s6 =	sadd.s32 @!p0 s3, s7;
	s7 =	simm.s32 @!p0 $0x108  }
0x21: {  	s3 =	sadd.s32 s3, s9;
	s6 =	sadd.s32 @!p0 $0x88, s6;
	s7 =	simm.s32 @p2 $0x1082  }
0x22: {  	[simem:s7], [sflag:s8] =	dma.local @!p0 [hbm:s6], $0xF7A  }
0x23: {  	s9 =	sor.u32 $0xD0000000, s2;
	s6 =	simm.s32 $0x108;
	_ =	swait.ge @!p0 [sflag:s8], $0x0  }
0x24: {  	s3 =	sadd.s32 $0x88, s3;
	s6 =	simm.s32 @!p1 $0x1082;
	[sflag:s4] =	ssyncset.s32 $0xFFFFF086  }
0x25: {  	[simem:s6], [sflag:s4] =	dma.local [hbm:s3], $0xF7A  }
0x26: {  	[smem:$0x3F9E] =	sst s1;
	(tag) =	ssettag s2;
	_ =	strace s9  }
0x27: {  	s1 =	sld [smem:$0x3FAE]  }
0x28: {  	s2 =	sld [smem:$0x3FAF]  }
0x29: {  	s4 =	sld [smem:$0x3FB1]  }
0x2a: {  	p0 =	seq.s32 s5, $0x0;
	s5 =	sld [smem:$0x3FB2]  }
0x2b: {  	s6 =	sld [smem:$0x3FB3]  }
0x2c: {  	s7 =	sld [smem:$0x3FB4]  }
0x2d: {  	s3 =	simm.s32 $0x108;
	s8 =	sld [smem:$0x3FB5]  }
0x2e: {  	s3 =	simm.s32 @!p0 $0x1082;
	s9 =	sld [smem:$0x3FB6]  }
0x2f: {  	lr =	sadd.s32 s0, s3;
	s0 =	sld [smem:$0x3FAD]  }
0x30: {  	s3 =	sld [smem:$0x3FB0]  }
0x31: {  	[smem:$0x3FB9] =	sst s10  }
0x32: {  	s10 =	sld [smem:$0x3FB7];
	_ =	sdelay $0x3  }
0x33: {  	p0 =	seq.s32 s10, $0x1;
	s10 =	sld [smem:$0x3FB9];
	_ =	sdelay $0x3  }
0x34: {  	[smem:$0x3FB9] =	sst s10  }
0x35: {  	s10 =	sld [smem:$0x3FB8];
	_ =	sdelay $0x3  }
0x36: {  	p1 =	seq.s32 s10, $0x1;
	s10 =	sld [smem:$0x3FB9];
	_ =	sdelay $0x3  }
0x37: {  	[smem:$0x3FB9] =	sst s10  }
0x38: {  	s10 =	sld [smem:$0x3FBA]  }
0x39: {  	_ = 	snop;
	(pc) =	sbr.ind lr, $3  }
0x3a: {  	_ = 	snop  }
0x3b: {  	_ = 	snop  }
0x3c: {  	p2 =	seq.s32 s10, $0x1;
	s10 =	sld [smem:$0x3FB9]  }
0x3d: {  	_ =	shalt  }
0x3e: {  	_ =	shalt  }
0x3f: {  	_ =	shalt  }
0x40: {  	_ =	shalt  }
0x41: {  	_ =	shalt  }
0x42: {  	_ =	shalt  }
0x43: {  	_ =	shalt  }
0x44: {  	_ =	shalt  }
0x45: {  	_ =	shalt  }
0x46: {  	_ =	shalt  }
0x47: {  	_ =	shalt  }
0x48: {  	_ =	shalt  }
0x49: {  	_ =	shalt  }
0x4a: {  	_ =	shalt  }
0x4b: {  	_ =	shalt  }
0x4c: {  	_ =	shalt  }
0x4d: {  	_ =	shalt  }
0x4e: {  	_ =	shalt  }
0x4f: {  	_ =	shalt  }
0x50: {  	_ =	shalt  }
0x51: {  	_ =	shalt  }
0x52: {  	_ =	shalt  }
0x53: {  	_ =	shalt  }
0x54: {  	_ =	shalt  }
0x55: {  	_ =	shalt  }
0x56: {  	_ =	shalt  }
0x57: {  	_ =	shalt  }
0x58: {  	_ =	shalt  }
0x59: {  	_ =	shalt  }
0x5a: {  	_ =	shalt  }
0x5b: {  	_ =	shalt  }
0x5c: {  	_ =	shalt  }
0x5d: {  	_ =	shalt  }
0x5e: {  	_ =	shalt  }
0x5f: {  	_ =	shalt  }
0x60: {  	_ =	shalt  }
0x61: {  	_ =	shalt  }
0x62: {  	_ =	shalt  }
0x63: {  	_ =	shalt  }
0x64: {  	_ =	shalt  }
0x65: {  	_ =	shalt  }
0x66: {  	_ =	shalt  }
0x67: {  	_ =	shalt  }
0x68: {  	_ =	shalt  }
0x69: {  	_ =	shalt  }
0x6a: {  	_ =	shalt  }
0x6b: {  	_ =	shalt  }
0x6c: {  	_ =	shalt  }
0x6d: {  	_ =	shalt  }
0x6e: {  	_ =	shalt  }
0x6f: {  	_ =	shalt  }
0x70: {  	_ =	shalt  }
0x71: {  	_ =	shalt  }
0x72: {  	_ =	shalt  }
0x73: {  	_ =	shalt  }
0x74: {  	_ =	shalt  }
0x75: {  	_ =	shalt  }
0x76: {  	_ =	shalt  }
0x77: {  	_ =	shalt  }
0x78: {  	_ =	shalt  }
0x79: {  	_ =	shalt  }
0x7a: {  	_ =	shalt  }
0x7b: {  	_ =	shalt  }
0x7c: {  	_ =	shalt  }
0x7d: {  	_ =	shalt  }
0x7e: {  	_ =	shalt  }
0x7f: {  	_ =	shalt  }
0x80: {  	_ =	shalt  }
0x81: {  	_ =	shalt  }
0x82: {  	_ =	shalt  }
0x83: {  	_ =	shalt  }
0x84: {  	_ =	shalt  }
0x85: {  	_ =	shalt  }
0x86: {  	_ =	shalt  }
0x87: {  	_ =	shalt  }
.Lfunc_end0:
.L_simem_size_0:
called_computation_lowered:
.L_overlay_start_0:
0x88: {  	s2 =	sld [smem:$0x3FD9]  }
0x89: {  	s3 =	sld [smem:$0x3FFE];
	_ =	sdelay $0x1  }
0x8a: {  	s1 =	srdreg.scid  }
0x8b: {  	s0 =	sand.u32 $0x1, s1  }
0x8c: {  	s16 =	sshll.u32 s0, $0xA;
	s2 =	sadd.s32 s3, s2  }
0x8d: {  	s2 =	sadd.s32 s2, s16  }
0x8e: {  	[smem:$0x3FC5] =	sst s2  }
0x8f: {  	_ = 	snop  }
0x90: {  	(tm) =	ssettm $0x1  }
0x91: {  	s17 =	sld [smem:$0x3FFB];
	_ =	sdelay $0x3  }
0x92: {  	_ =	strace s17  }
0x93: {  	s2 =	sld [smem:$0x3FFC];
	_ =	sdelay $0x3  }
0x94: {  	_ =	strace s2  }
0x95: {  	s2 =	sld [smem:$0x3FFD];
	_ =	sdelay $0x3  }
0x96: {  	_ =	strace s2  }
0x97: {  	_ =	strace $0x8FFFFFFF  }
0x98: {  	s18 =	sld [smem:$0x3FDB];
	_ =	sdelay $0x1  }
0x99: {  	s19 =	simm.s32 $_scs_section_size  }
0x9a: {  	s4 =	simm.s32 $_size__tile_overlayer_lowered;
	s5 =	simm.s32 $_tile_overlayer_lowered  }
0x9b: {  	s22 =	simm.s32 $0x1BFF;
	s21 =	sshll.u32 s5, $0x1;
	s2 =	sadd.s32 s19, s18  }
0x9c: {  	s6 =	simm.s32 $0x0;
	s20 =	sshll.u32 s4, $0x1;
	s4 =	sadd.s32 s21, s2  }
0x9d: {  	[timem:s6], [sflag:s22] =	dma.local [hbm:s4], s20  }
0x9e: {  	_ =	swait.ge [sflag:s22], s20  }
0x9f: {  	s3 =	ssub.s32 $0x0, s20;
	[sflag:s22] =	ssyncset.done $0x0  }
0xa0: {  	[sflag:s22] =	ssyncadd.s32 s3;
	_ =	sdelay $0x1  }
0xa1: {  	s23 =	simm.s32 $0x1B8B  }
0xa2: {  	_ =	swait.ge [sflag:s23], $0x1  }
0xa3: {  	[sflag:s23] =	ssyncset.done $0x0  }
0xa4: {  	s25 =	simm.s32 $0x1B8E;
	s24 =	sld [smem:$0x3FFE];
	[sflag:s23] =	ssyncadd.s32 $0xFFFFFFFF  }
0xa5: {  	s26 =	simm.s32 $execute0_lowered;
	[smem:$0x3FD2] =	sst s25  }
0xa6: {  	s4 =	sshll.u32 s26, $0x1;
	_ =	strace $0x80000046;
	[dreg:$0x1] =	wrdreg $0xFFFFFFFF  }
0xa7: {  	s28 =	simm.s32 $_size_execute0_lowered;
	s2 =	sadd.s32 s2, s4;
	[dreg:$0x0] =	wrdreg $0x0  }
0xa8: {  	s4 =	sshll.u32 s28, $0x1;
	[dreg:$0x2] =	wrdreg s2  }
0xa9: {  	[dreg:$0x3] =	wrdreg s4  }
0xaa: {  	[dreg:$0x4] =	wrdreg $0xC0  }
0xab: {  	_ =	task [dreg:s6], $0x5FFFF  }
0xac: {  	[dreg:$0x1] =	wrdreg $0xFFFFFFFF  }
0xad: {  	[dreg:$0x0] =	wrdreg $0x60  }
0xae: {  	[dreg:$0x2] =	wrdreg s24  }
0xaf: {  	[dreg:$0x3] =	wrdreg $0x9  }
0xb0: {  	_ =	task.clear_ibuf [dreg:s6], $0x4FFFF;
	_ =	strace $0x90000046  }
0xb1: {  	s29 =	simm.s32 $0x9;
	_ =	strace $0x80000048  }
0xb2: {  	_ =	swait.ge [sflag:s29], $0x1  }
0xb3: {  	[sflag:s29] =	ssyncadd.s32 $0xFFFFFFFF  }
0xb4: {  	_ =	strace $0x90000048  }
0xb5: {  	_ =	sfence  }
0xb6: {  	s30 =	sld [smem:$0x0];
	_ =	sdelay $0x2  }
0xb7: {  	s31 =	sshll.u32 s1, $0xD;
	s1 =	sshrl.u32 s1, $0x2  }
0xb8: {  	s3 =	sand.u32 $0x4000, s31;
	s1 =	sadd.s32 s1, s30  }
0xb9: {  	s0 =	sor.u32 s3, s0;
	s1 =	sshll.u32 s1, $0x11  }
0xba: {  	s0 =	sor.u32 s1, s0  }
0xbb: {  	s0 =	sadd.s32 $0x8F2B, s0  }
0xbc: {  	[sflag:s0] =	ssyncadd.remote.s32 $0x1  }
0xbd: {  	_ =	sfence.sel $0xFFFF  }
0xbe: {  	[dreg:$0x0] =	wrdreg $0xFFFFFFFF;
	(pc) =	sbr.abs _section_cstart, $3  }
0xbf: {  	[dreg:$0x1] =	wrdreg $0xFFFFFFFF  }
0xc0: {  	_ =	task.clear_ibuf [dreg:s6], $0x2FFFF;
	_ =	strace $0x9FFFFFFF  }
0xc1: {  	(tm) =	ssettm $0x7FFFFFFF  }
tec
execute0_lowered:
.L_overlay_start_1:
0x0: {  	(tag) =	ssettag $0x1  }
0x1: {  	s0 =	stileid.u32  }
0x2: {  	s1 =	srdreg.scid;
	s2 =	rddreg [dreg:$0x0]  }
0x3: {  	s5 =	simm.s32 $0x1;
	s8 =	simm.s32 $0x1;
	s9 =	simm.s32 $0x3  }
0x4: {  	s10 =	simm.s32 $0x0;
	s3 =	sand.u32 $0x1, s1;
	s4 =	sshll.u32 s0, $0x1  }
0x5: {  	s13 =	simm.s32 $0x0;
	s12 =	simm.s32 $0x0;
	s6 =	sor.u32 s4, s3  }
0x6: {  	s1 =	rddreg [dreg:$0x1];
	_ =	strace $0x80000047;
	s4 =	smul.u32 $0xA00, s6  }
0x7: {  	s3 =	sadd.s32 $0x3200, s2;
	p0 =	slt.u32 s6, $0x9;
	s6 =	simm.s32 $0x14000  }
.Ltmp0:
0x8: {  	s6 =	simm.s32 @!p0 $0x0;
	s7 =	ssub.s32 $0x19000, s4;
	(pc) =	sbr.rel .LBB2_1-.Ltmp0, $4  }
0x9: {  	s8 =	simm.s32 @!p0 $0x0;
	p0 =	sne.s32 s7, s6;
	s7 =	simm.s32 $0x1  }
0xa: {  	[sflag:s5] =	ssyncpa.u1 $0x0;
	s6 =	simm.s32 $0x2;
	s7 =	simm.s32 @!p0 $0x0  }
0xb: {  	s11 =	smov.u32 s4;
	[sflag:s6] =	ssyncpa.u1 $0x0;
	s7 =	sadd.s32 s8, s7  }
0xc: {  	vm0 =	vmmov $0xffff;
	s8 =	sadd.s32 $0xA400, s2;
	[sflag:s9] =	ssyncpa.u1 $0x0;
	s9 =	sadd.s32 $0x1, s7  }
.LBB2_4:
0xd: {  	v2 =	vnsel vm1, $0x0, v2  }
0xe: {  	vm1 =	vgt.s32 v0, $0x0;
	v2 =	vmin.u32 v2, $0x1869F  }
0xf: {  	v0 =	vnsel vm1, $0x0, v0  }
0x10: {  	v0 =	vmin.u32 v0, $0x1869F  }
0x11: {  	[tilespmem:s18], [sflag:$0x1] =	stream.indirect_vreg.gather [hbm4b:s3+s10], $0x1, v1, vm0, $0x4038;
	[tilespmem:$0x2800] =	vst v63  }
0x12: {  	(ifvalue) =	ssetifvalue $0x7FFFFFFF  }
0x13: {  	[tilespmem:s15], [sflag:$0x1] =	stream.indirect_vreg.gather [hbm4b:s3+s10], $0x1, v2, vm0, $0x4038;
	[tilespmem:$0x2800] =	vst v63  }
0x14: {  	s29 =	sadd.s32 $0x10, s15;
	(ifvalue) =	ssetifvalue $0x7FFFFFFF  }
0x15: {  	[tilespmem:s29], [sflag:$0x1] =	stream.indirect_vreg.gather [hbm4b:s3+s10], $0x1, v0, vm0, $0x4038;
	[tilespmem:$0x2800] =	vst v63  }
0x16: {  	_ =	swait.ge [sflag:s5], $0xA00  }
0x17: {  	s30 =	sshrl.u32 s13, $0x3;
	[sflag:s5] =	ssyncset.done $0x0  }
0x18: {  	s31 =	sand.u32 $0x7, s13;
	s15 =	sadd.s32 s8, s30;
	[sflag:s5] =	ssyncadd.s32 $0xFFFFF600  }
0x19: {  	[hbm4b:s15+s31] =	stream.linear.scatter [tilespmem:s14], [sflag:$0x3], $0xA00, $0x38;
	[tilespmem:$0x2800] =	vst v63  }
.LBB2_5:
0x1a: {  	s15 =	sadd.s32 $0x14000, s11  }
0x1b: {  	p1 =	sgt.s32 s15, $0x18FFF  }
0x1c: {  	s15 =	smov.u32 @p1 s4;
	p1 =	sne.s32 s12, s9  }
.Ltmp1:
0x1d: {  	p0 =	slt.u32 s12, $0x2;
	(pc) =	sbr.rel @!p1 .LBB2_6-.Ltmp1, $4  }
0x1e: {  	s14 =	simm.s32 @!p0 $0x3  }
0x1f: {  	_ =	swait.ge @!p0 [sflag:s14], $0xA00  }
0x20: {  	s16 =	sadd.s32 $0x1, s12;
	s13 =	smov.u32 s11;
	[sflag:s14] =	ssyncset.done @!p0 $0x0  }
0x21: {  	s12 =	smov.u32 s16;
	s11 =	smov.u32 s15;
	[sflag:s14] =	ssyncadd.s32 @!p0 $0xFFFFF600  }
.LBB2_1:
0x22: {  	p0 =	sge.u32 s12, s7  }
0x23: {  	s14 =	sxor.u32 @!p0 $0x1, s12  }
0x24: {  	s14 =	smul.u32 @!p0 $0x2800, s14  }
0x25: {  	s31 =	sadd.s32 $0xFFFFFFFF, s12;
	s15 =	sshrl.u32 @!p0 s11, $0x3  }
0x26: {  	s16 =	sand.u32 @!p0 $0x7, s11;
	s15 =	sadd.s32 @!p0 s2, s15;
	s14 =	sshra.s32 @!p0 s14, $0x2  }
0x27: {  	[tilespmem:s14], [sflag:$0x2] =	stream.linear.gather @!p0 [hbm4b:s15+s16], $0xA00, $0x38;
	[tilespmem:$0x2800] =	vst v63  }
0x28: {  	p0 =	sge.u32 s31, s7  }
.Ltmp2:
0x29: {  	_ = 	snop;
	(pc) =	sbr.rel @p0 .LBB2_5-.Ltmp2, $1  }
0x2a: {  	_ =	sdelay $0x3  }
0x2b: {  	s14 =	sand.u32 $0x1, s12  }
0x2c: {  	_ =	swait.ge [sflag:s6], $0xA00;
	p0 =	seq.s32 s14, $0x1;
	s14 =	simm.s32 $0xA00  }
0x2d: {  	[sflag:s6] =	ssyncset.done $0x0;
	s14 =	simm.s32 @!p0 $0x0  }
0x2e: {  	[sflag:s6] =	ssyncadd.s32 $0xFFFFF600;
	(ifvalue) =	ssetifvalue $0x7FFFFFFF;
	v0 =	vld.msk [tilespmem:s14+$0x0 ss:$0x1], $0xffff;
	_ =	sdelay $0x4  }
0x2f: {  	s15 =	sadd.s32 $0x10, s14;
	vm1 =	vgt.s32 v0, $0x0  }
0x30: {  	v2 =	vld.msk [tilespmem:s15+$0x0 ss:$0x1], $0xffff;
	v1 =	vnsel vm1, $0x0, v0  }
0x31: {  	v1 =	vmin.u32 v1, $0x1869F;
	_ =	sdelay $0x2  }
0x32: {  	s17 =	simm.s32 $0x20;
	s14 =	sor.u32 $0x1400, s14;
	s16 =	sadd.s32 $0x10, s15  }
0x33: {  	s15 =	sadd.s32 $0x10, s14;
	s18 =	smov.u32 s14;
	v0 =	vld.msk [tilespmem:s16+$0x0 ss:$0x1], $0xffff;
	vm1 =	vgt.s32 v2, $0x0;
	(ifvalue) =	ssetifvalue $0x7FFFFFFF  }
.LBB2_3:
0x34: {  	[tilespmem:s18], [sflag:$0x1] =	stream.indirect_vreg.gather [hbm4b:s3+s10], $0x1, v1, vm0, $0x4038;
	[tilespmem:$0x2800] =	vst v63  }
0x35: {  	s17 =	sadd.s32 $0x10, s17  }
0x36: {  	v2 =	vnsel vm1, $0x0, v2;
	p0 =	slt.u32 s17, $0x9F0  }
.Ltmp3:
0x37: {  	s18 =	smov.u32 s15;
	v1 =	vmin.u32 v2, $0x1869F;
	(pc) =	sbr.rel @p0 .LBB2_3-.Ltmp3, $3  }
0x38: {  	_ =	sdelay $0x1  }
0x39: {  	s16 =	sadd.s32 $0x10, s16  }
0x3a: {  	vm1 =	vgt.s32 v0, $0x0;
	s15 =	sadd.s32 $0x10, s15;
	v2 =	vmov v0;
	(ifvalue) =	ssetifvalue $0x7FFFFFFF;
	v0 =	vld.msk [tilespmem:s16+$0x0 ss:$0x1], $0xffff  }
.Ltmp4:
0x3b: {  	_ = 	snop;
	(pc) =	sbr.rel .LBB2_4-.Ltmp4, $1  }
0x3c: {  	_ =	sdelay $0x3  }
.LBB2_6:
0x3d: {  	_ =	sfence.sel $0x180000  }
0x3e: {  	s2 =	simm.s32 $0x2;
	[bflag:$0x0] =	sbarrier.arrive $0xFFFF  }
0x3f: {  	s30 =	simm.s32 $0x3;
	[sflag:s2] =	ssyncpa.u1 $0x1  }
0x40: {  	s31 =	simm.s32 $0x1;
	[sflag:s30] =	ssyncpa.u1 $0x1  }
0x41: {  	[sflag:s31] =	ssyncpa.u1 $0x1  }
0x42: {  	p0 =	sne.s32 s0, $0x0;
	_ =	strace $0x90000047  }
0x43: {  	s0 =	sadd.s32 @!p0 $0x100000, s1;
	[bflag:$0x2] =	sbarrier.arrive $0xFFFF  }
0x44: {  	[sflag:s0] =	ssyncadd.tile.s32 @!p0 $0x1;
	_ =	shalt  }
.Lfunc_end2:
_tile_overlayer_lowered:
.L_overlay_start_2:
0x45: {  	(tag) =	ssettag $0x2  }
0x46: {  	s0 =	rddreg [dreg:$0x0];
	s2 =	stileid.u32  }
0x47: {  	s1 =	rddreg [dreg:$0x1];
	p0 =	sne.s32 s2, $0x0  }
0x48: {  	s3 =	rddreg [dreg:$0x2];
	[bflag:$0x3] =	sbarrier.arrive $0xFFFF;
	s2 =	simm.s32 @!p0 $0x1C01  }
0x49: {  	[timem:s3], [sflag:s2] =	dma.local @!p0 [hbm:s0], s1  }
0x4a: {  	s0 =	simm.s32 @!p0 $0x1  }
0x4b: {  	_ =	swait.ge @!p0 [sflag:s0], s1  }
0x4c: {  	s1 =	ssub.s32 @!p0 $0x0, s1;
	[sflag:s0] =	ssyncset.done @!p0 $0x0  }
0x4d: {  	[sflag:s0] =	ssyncadd.s32 @!p0 s1  }
0x4e: {  	[bflag:$0x3] =	sbarrier.arrive $0xFFFF  }
0x4f: {  	_ =	shalt  }

</sc_bundles>
